<compile_context>
chip_gen: v7x
topology: tpu7x:2x2x1
jax: 0.10.2.dev20260603
libtpu: 0.0.44.dev20260713+nightly
codegen_flags: <defaults>
</compile_context>

<pallas_src>
import math

import jax
import jax.numpy as jnp
from jax import lax
from jax.experimental import pallas as pl
from jax.experimental.pallas import tpu as pltpu
from jax.experimental.pallas import tpu_sc as plsc

D_MODEL = 128
_SCALE = math.sqrt(float(D_MODEL))

_NC = 2
_NS = 16
_NW = _NC * _NS

_B = 4096 * 200
_CHUNK = 128
_PER_W = _B // _NW
_NCHUNK = _PER_W // _CHUNK
_DEPTH = 2
_NGROUP = _NCHUNK // _DEPTH
_TAIL = _NCHUNK - _NGROUP * _DEPTH


def _scale_chunk(src_v, dst_v):
    def row(i, _):
        for j in range(D_MODEL // 16):
            s = pl.ds(j * 16, 16)
            dst_v[i, s] = src_v[i, s] * _SCALE
        return 0

    lax.fori_loop(0, _CHUNK, row, 0)


def _body(idx_hbm, table_hbm, out_hbm, idx_v, *bufs):
    ins = bufs[:_DEPTH]
    outs = bufs[_DEPTH:2 * _DEPTH]
    sgs = bufs[2 * _DEPTH:3 * _DEPTH]
    sss = bufs[3 * _DEPTH:]

    wid = lax.axis_index("c") * _NS + lax.axis_index("s")
    base = wid * _PER_W
    pltpu.sync_copy(idx_hbm.at[pl.ds(wid * _NCHUNK, _NCHUNK)], idx_v)

    for b in range(_DEPTH):
        pltpu.async_copy(table_hbm.at[idx_v.at[b]], ins[b], sgs[b])

    def step(c, b, last):
        pltpu.make_async_copy(table_hbm.at[idx_v.at[c]], ins[b], sgs[b]).wait()

        @pl.when(c >= _DEPTH)
        def _():
            pltpu.make_async_copy(
                outs[b], out_hbm.at[pl.ds(base, _CHUNK)], sss[b]).wait()

        _scale_chunk(ins[b], outs[b])

        if not last:
            @pl.when(c + _DEPTH < _NCHUNK)
            def _():
                pltpu.async_copy(table_hbm.at[idx_v.at[c + _DEPTH]],
                                 ins[b], sgs[b])

        pltpu.async_copy(outs[b],
                         out_hbm.at[pl.ds(base + c * _CHUNK, _CHUNK)], sss[b])

    def group(g, _):
        c0 = _DEPTH * g
        for b in range(_DEPTH):
            step(c0 + b, b, False)
        return 0

    lax.fori_loop(0, _NGROUP, group, 0)
    for t in range(_TAIL):
        step(_NGROUP * _DEPTH + t, t, True)

    for b in range(_DEPTH):
        pltpu.make_async_copy(
            outs[b], out_hbm.at[pl.ds(base, _CHUNK)], sss[b]).wait()


def kernel(x, table):
    idx2d = x.reshape(_B // _CHUNK, _CHUNK)
    mesh = plsc.VectorSubcoreMesh(core_axis_name="c", subcore_axis_name="s")
    out = pl.kernel(
        _body,
        out_type=jax.ShapeDtypeStruct((_B, D_MODEL), jnp.float32),
        mesh=mesh,
        scratch_types=(
            [pltpu.VMEM((_NCHUNK, _CHUNK), jnp.int32)]
            + [pltpu.VMEM((_CHUNK, D_MODEL), jnp.float32)] * (2 * _DEPTH)
            + [pltpu.SemaphoreType.DMA] * (2 * _DEPTH)
        ),
    )(idx2d, table)
    return out.reshape(4096, 200, D_MODEL)

# --- scband reference (transcript-rebuilt; emitter-appended) ---
"""Pipeline reference for scband-input-embeddings-6253472383736 (READ-ONLY COPY).

The authoritative reference and input builder live on the scoring server;
editing this copy changes nothing except your own understanding.
"""

import jax, jax.numpy as jnp
import numpy as np
import math

D_MODEL = 128
VOCAB_SIZE = 1000000

def setup_inputs(seed: int = 0) -> dict:
    key = jax.random.key(seed)
    k_idx, k_tab = jax.random.split(key)
    x = jax.random.randint(k_idx, (4096, 200), 0, VOCAB_SIZE, dtype=jnp.int64 if jax.config.jax_enable_x64 else jnp.int32)
    table = jax.random.normal(k_tab, (VOCAB_SIZE, D_MODEL), dtype=jnp.float32)
    return {"x": x, "table": table}

def reference(x, table):
    # InputEmbeddings.forward: embedding lookup scaled by sqrt(d_model)
    emb = jnp.take(table, x, axis=0)
    return emb * math.sqrt(D_MODEL)

if __name__ == "__main__":
    import jax
    _d = setup_inputs()
    print(jax.jit(kernel)(*tuple(_d.values())))

</pallas_src>

<mosaic_0001>
#map = affine_map<(d0, d1) -> (0, 0)>
module attributes {stable_mosaic.version = 14 : i64} {
  func.func @_body(%arg0: i32, %arg1: i32, %arg2: memref<6400x128xi32, #tpu.memory_space<hbm>>, %arg3: memref<1000000x128xf32, #tpu.memory_space<hbm>>, %arg4: memref<819200x128xf32, #tpu.memory_space<hbm>>, %arg5: memref<200x128xi32, #tpu.memory_space<vmem>>, %arg6: memref<128x128xf32, #tpu.memory_space<vmem>>, %arg7: memref<128x128xf32, #tpu.memory_space<vmem>>, %arg8: memref<128x128xf32, #tpu.memory_space<vmem>>, %arg9: memref<128x128xf32, #tpu.memory_space<vmem>>, %arg10: memref<!tpu.dma_semaphore, #tpu.memory_space<semaphore_mem>>, %arg11: memref<!tpu.dma_semaphore, #tpu.memory_space<semaphore_mem>>, %arg12: memref<!tpu.dma_semaphore, #tpu.memory_space<semaphore_mem>>, %arg13: memref<!tpu.dma_semaphore, #tpu.memory_space<semaphore_mem>>) attributes {dimension_semantics = [#tpu.dimension_semantics<core_parallel>, #tpu.dimension_semantics<subcore_parallel>], iteration_bounds = array<i64: 2, 16>, scalar_prefetch = 0 : i64, scratch_operands = 9 : i64, tpu.core_type = #tpu.core_type<sc_vector_subcore>, window_params = [{transform_indices = #map}, {transform_indices = #map}, {transform_indices = #map}]} {
    %mul3A = arith.constant 16 : i32
    %mul3A_0 = arith.muli %arg0, %mul3A : i32
    %add3A = arith.addi %mul3A_0, %arg1 : i32
    %mul3A_1 = arith.constant 25600 : i32
    %mul3A_2 = arith.muli %add3A, %mul3A_1 : i32
    %mul3A_3 = arith.constant 200 : i32
    %mul3A_4 = arith.muli %add3A, %mul3A_3 : i32
    "tpu.region"() ({
      %run_scoped3A = tpu.sem_alloc : memref<!tpu.dma_semaphore, #tpu.memory_space<semaphore_mem>>
      %dma_start3A_31 = arith.constant 0 : i32
      %dma_start3A_32 = tpu.memref_slice %arg2[%mul3A_4, %dma_start3A_31] : memref<6400x128xi32, #tpu.memory_space<hbm>> -> memref<200x128xi32, #tpu.memory_space<hbm>>
      %dma_start3A_33 = arith.constant 0 : i32
      %dma_start3A_34 = tpu.memref_slice %arg2[%mul3A_4, %dma_start3A_33] : memref<6400x128xi32, #tpu.memory_space<hbm>> -> memref<200x128xi32, #tpu.memory_space<hbm>>
      tpu.enqueue_dma source(%dma_start3A_34 : memref<200x128xi32, #tpu.memory_space<hbm>>) target(%arg5 : memref<200x128xi32, #tpu.memory_space<vmem>>) target_semaphore(%run_scoped3A : memref<!tpu.dma_semaphore, #tpu.memory_space<semaphore_mem>>)
      %dma_wait3A_35 = arith.constant 0 : i32
      %dma_wait3A_36 = tpu.memref_slice %arg2[%mul3A_4, %dma_wait3A_35] : memref<6400x128xi32, #tpu.memory_space<hbm>> -> memref<200x128xi32, #tpu.memory_space<hbm>>
      %dma_wait3A_37 = arith.constant 0 : i32
      %dma_wait3A_38 = tpu.memref_slice %arg2[%mul3A_4, %dma_wait3A_37] : memref<6400x128xi32, #tpu.memory_space<hbm>> -> memref<200x128xi32, #tpu.memory_space<hbm>>
      tpu.wait_dma2 semaphore(%run_scoped3A : memref<!tpu.dma_semaphore, #tpu.memory_space<semaphore_mem>>) src(%dma_wait3A_38 : memref<200x128xi32, #tpu.memory_space<hbm>>) dst(%arg5 : memref<200x128xi32, #tpu.memory_space<vmem>>)
      tpu.yield
    }) : () -> ()
    %dma_start3A = arith.constant 0 : i32
    %dma_start3A_5 = arith.constant 0 : i32
    %dma_start3A_6 = tpu.memref_slice %arg5[%dma_start3A, %dma_start3A_5] : memref<200x128xi32, #tpu.memory_space<vmem>> -> memref<1x128xi32, #tpu.memory_space<vmem>>
    %dma_start3A_7 = tpu.memref_squeeze %dma_start3A_6 : memref<1x128xi32, #tpu.memory_space<vmem>> -> memref<128xi32, #tpu.memory_space<vmem>>
    %dma_start3A_8 = arith.constant 0 : i32
    %dma_start3A_9 = arith.constant 0 : i32
    %dma_start3A_10 = tpu.memref_slice %arg3[%dma_start3A_8, %dma_start3A_9] : memref<1000000x128xf32, #tpu.memory_space<hbm>> -> memref<1000000x128xf32, #tpu.memory_space<hbm>>
    tpu.enqueue_indirect_dma source(%dma_start3A_10 : memref<1000000x128xf32, #tpu.memory_space<hbm>>) target(%arg6 : memref<128x128xf32, #tpu.memory_space<vmem>>) offsets(%dma_start3A_7 : memref<128xi32, #tpu.memory_space<vmem>>) semaphore(%arg10 : memref<!tpu.dma_semaphore, #tpu.memory_space<semaphore_mem>>)
    %dma_start3A_11 = arith.constant 1 : i32
    %dma_start3A_12 = arith.constant 0 : i32
    %dma_start3A_13 = tpu.memref_slice %arg5[%dma_start3A_11, %dma_start3A_12] : memref<200x128xi32, #tpu.memory_space<vmem>> -> memref<1x128xi32, #tpu.memory_space<vmem>>
    %dma_start3A_14 = tpu.memref_squeeze %dma_start3A_13 : memref<1x128xi32, #tpu.memory_space<vmem>> -> memref<128xi32, #tpu.memory_space<vmem>>
    %dma_start3A_15 = arith.constant 0 : i32
    %dma_start3A_16 = arith.constant 0 : i32
    %dma_start3A_17 = tpu.memref_slice %arg3[%dma_start3A_15, %dma_start3A_16] : memref<1000000x128xf32, #tpu.memory_space<hbm>> -> memref<1000000x128xf32, #tpu.memory_space<hbm>>
    tpu.enqueue_indirect_dma source(%dma_start3A_17 : memref<1000000x128xf32, #tpu.memory_space<hbm>>) target(%arg7 : memref<128x128xf32, #tpu.memory_space<vmem>>) offsets(%dma_start3A_14 : memref<128xi32, #tpu.memory_space<vmem>>) semaphore(%arg11 : memref<!tpu.dma_semaphore, #tpu.memory_space<semaphore_mem>>)
    %scan3A = arith.constant 0 : i32
    %scan3A_18 = arith.constant 0 : i32
    %scan3A_19 = arith.constant 100 : i32
    %scan3A_20 = arith.addi %scan3A_18, %scan3A_19 : i32
    %scan3A_21 = arith.constant 1 : i32
    %scan3A_22 = scf.for %scan3A_31 = %scan3A_18 to %scan3A_20 step %scan3A_21 iter_args(%scan3A_32 = %scan3A) -> (i32)  : i32 {
      %mul3A_33 = arith.constant 2 : i32
      %mul3A_34 = arith.muli %mul3A_33, %scan3A_31 : i32
      %add3A_35 = arith.constant 0 : i32
      %add3A_36 = arith.addi %mul3A_34, %add3A_35 : i32
      %dma_wait3A_37 = arith.constant 0 : i32
      %dma_wait3A_38 = tpu.memref_slice %arg5[%add3A_36, %dma_wait3A_37] : memref<200x128xi32, #tpu.memory_space<vmem>> -> memref<1x128xi32, #tpu.memory_space<vmem>>
      %dma_wait3A_39 = tpu.memref_squeeze %dma_wait3A_38 : memref<1x128xi32, #tpu.memory_space<vmem>> -> memref<128xi32, #tpu.memory_space<vmem>>
      %dma_wait3A_40 = arith.constant 0 : i32
      %dma_wait3A_41 = arith.constant 0 : i32
      %dma_wait3A_42 = tpu.memref_slice %arg3[%dma_wait3A_40, %dma_wait3A_41] : memref<1000000x128xf32, #tpu.memory_space<hbm>> -> memref<1000000x128xf32, #tpu.memory_space<hbm>>
      tpu.wait_indirect_dma semaphore(%arg10 : memref<!tpu.dma_semaphore, #tpu.memory_space<semaphore_mem>>) src(%dma_wait3A_42 : memref<1000000x128xf32, #tpu.memory_space<hbm>>) dst(%arg6 : memref<128x128xf32, #tpu.memory_space<vmem>>)
      %ge3A = arith.constant 2 : i32
      %ge3A_43 = arith.cmpi sge, %add3A_36, %ge3A : i32
      %convert_element_type3A = arith.extui %ge3A_43 : i1 to i32
      %cond3A = arith.constant 0 : i32
      %cond3A_44 = arith.cmpi ne, %convert_element_type3A, %cond3A : i32
      scf.if %cond3A_44 {
        %dma_wait3A_100 = arith.constant 0 : i32
        %dma_wait3A_101 = tpu.memref_slice %arg4[%mul3A_2, %dma_wait3A_100] : memref<819200x128xf32, #tpu.memory_space<hbm>> -> memref<128x128xf32, #tpu.memory_space<hbm>>
        %dma_wait3A_102 = arith.constant 0 : i32
        %dma_wait3A_103 = tpu.memref_slice %arg4[%mul3A_2, %dma_wait3A_102] : memref<819200x128xf32, #tpu.memory_space<hbm>> -> memref<128x128xf32, #tpu.memory_space<hbm>>
        tpu.wait_dma2 semaphore(%arg12 : memref<!tpu.dma_semaphore, #tpu.memory_space<semaphore_mem>>) src(%arg8 : memref<128x128xf32, #tpu.memory_space<vmem>>) dst(%dma_wait3A_103 : memref<128x128xf32, #tpu.memory_space<hbm>>)
      } else {
      }
      %scan3A_45 = arith.constant 0 : i32
      %scan3A_46 = arith.constant 0 : i32
      %scan3A_47 = arith.constant 128 : i32
      %scan3A_48 = arith.addi %scan3A_46, %scan3A_47 : i32
      %scan3A_49 = arith.constant 1 : i32
      %scan3A_50 = scf.for %scan3A_100 = %scan3A_46 to %scan3A_48 step %scan3A_49 iter_args(%scan3A_101 = %scan3A_45) -> (i32)  : i32 {
        %get3A = arith.index_cast %scan3A_100 : i32 to index
        %get3A_102 = arith.constant 0 : index
        %get3A_103 = tpu.vector_load %arg6[%get3A, %get3A_102] {strides = array<i32>} : memref<128x128xf32, #tpu.memory_space<vmem>>, vector<1x16xf32>,
        %get3A_104 = vector.shape_cast %get3A_103 : vector<1x16xf32> to vector<16xf32>
        %mul3A_105 = arith.constant 11.3137083 : f32
        %mul3A_106 = vector.broadcast %mul3A_105 : f32 to vector<16xf32>
        %mul3A_107 = arith.mulf %get3A_104, %mul3A_106 : vector<16xf32>
        %swap3A = arith.index_cast %scan3A_100 : i32 to index
        %swap3A_108 = arith.constant 0 : index
        %swap3A_109 = tpu.vector_load %arg8[%swap3A, %swap3A_108] {strides = array<i32>} : memref<128x128xf32, #tpu.memory_space<vmem>>, vector<1x16xf32>,
        %swap3A_110 = vector.shape_cast %swap3A_109 : vector<1x16xf32> to vector<16xf32>
        %swap3A_111 = vector.shape_cast %mul3A_107 : vector<16xf32> to vector<1x16xf32>
        tpu.vector_store %arg8[%swap3A, %swap3A_108], %swap3A_111 {strides = array<i32>} : memref<128x128xf32, #tpu.memory_space<vmem>>, vector<1x16xf32>,
        %get3A_112 = arith.index_cast %scan3A_100 : i32 to index
        %get3A_113 = arith.constant 16 : index
        %get3A_114 = tpu.vector_load %arg6[%get3A_112, %get3A_113] {strides = array<i32>} : memref<128x128xf32, #tpu.memory_space<vmem>>, vector<1x16xf32>,
        %get3A_115 = vector.shape_cast %get3A_114 : vector<1x16xf32> to vector<16xf32>
        %mul3A_116 = arith.constant 11.3137083 : f32
        %mul3A_117 = vector.broadcast %mul3A_116 : f32 to vector<16xf32>
        %mul3A_118 = arith.mulf %get3A_115, %mul3A_117 : vector<16xf32>
        %swap3A_119 = arith.index_cast %scan3A_100 : i32 to index
        %swap3A_120 = arith.constant 16 : index
        %swap3A_121 = tpu.vector_load %arg8[%swap3A_119, %swap3A_120] {strides = array<i32>} : memref<128x128xf32, #tpu.memory_space<vmem>>, vector<1x16xf32>,
        %swap3A_122 = vector.shape_cast %swap3A_121 : vector<1x16xf32> to vector<16xf32>
        %swap3A_123 = vector.shape_cast %mul3A_118 : vector<16xf32> to vector<1x16xf32>
        tpu.vector_store %arg8[%swap3A_119, %swap3A_120], %swap3A_123 {strides = array<i32>} : memref<128x128xf32, #tpu.memory_space<vmem>>, vector<1x16xf32>,
        %get3A_124 = arith.index_cast %scan3A_100 : i32 to index
        %get3A_125 = arith.constant 32 : index
        %get3A_126 = tpu.vector_load %arg6[%get3A_124, %get3A_125] {strides = array<i32>} : memref<128x128xf32, #tpu.memory_space<vmem>>, vector<1x16xf32>,
        %get3A_127 = vector.shape_cast %get3A_126 : vector<1x16xf32> to vector<16xf32>
        %mul3A_128 = arith.constant 11.3137083 : f32
        %mul3A_129 = vector.broadcast %mul3A_128 : f32 to vector<16xf32>
        %mul3A_130 = arith.mulf %get3A_127, %mul3A_129 : vector<16xf32>
        %swap3A_131 = arith.index_cast %scan3A_100 : i32 to index
        %swap3A_132 = arith.constant 32 : index
        %swap3A_133 = tpu.vector_load %arg8[%swap3A_131, %swap3A_132] {strides = array<i32>} : memref<128x128xf32, #tpu.memory_space<vmem>>, vector<1x16xf32>,
        %swap3A_134 = vector.shape_cast %swap3A_133 : vector<1x16xf32> to vector<16xf32>
        %swap3A_135 = vector.shape_cast %mul3A_130 : vector<16xf32> to vector<1x16xf32>
        tpu.vector_store %arg8[%swap3A_131, %swap3A_132], %swap3A_135 {strides = array<i32>} : memref<128x128xf32, #tpu.memory_space<vmem>>, vector<1x16xf32>,
        %get3A_136 = arith.index_cast %scan3A_100 : i32 to index
        %get3A_137 = arith.constant 48 : index
        %get3A_138 = tpu.vector_load %arg6[%get3A_136, %get3A_137] {strides = array<i32>} : memref<128x128xf32, #tpu.memory_space<vmem>>, vector<1x16xf32>,
        %get3A_139 = vector.shape_cast %get3A_138 : vector<1x16xf32> to vector<16xf32>
        %mul3A_140 = arith.constant 11.3137083 : f32
        %mul3A_141 = vector.broadcast %mul3A_140 : f32 to vector<16xf32>
        %mul3A_142 = arith.mulf %get3A_139, %mul3A_141 : vector<16xf32>
        %swap3A_143 = arith.index_cast %scan3A_100 : i32 to index
        %swap3A_144 = arith.constant 48 : index
        %swap3A_145 = tpu.vector_load %arg8[%swap3A_143, %swap3A_144] {strides = array<i32>} : memref<128x128xf32, #tpu.memory_space<vmem>>, vector<1x16xf32>,
        %swap3A_146 = vector.shape_cast %swap3A_145 : vector<1x16xf32> to vector<16xf32>
        %swap3A_147 = vector.shape_cast %mul3A_142 : vector<16xf32> to vector<1x16xf32>
        tpu.vector_store %arg8[%swap3A_143, %swap3A_144], %swap3A_147 {strides = array<i32>} : memref<128x128xf32, #tpu.memory_space<vmem>>, vector<1x16xf32>,
        %get3A_148 = arith.index_cast %scan3A_100 : i32 to index
        %get3A_149 = arith.constant 64 : index
        %get3A_150 = tpu.vector_load %arg6[%get3A_148, %get3A_149] {strides = array<i32>} : memref<128x128xf32, #tpu.memory_space<vmem>>, vector<1x16xf32>,
        %get3A_151 = vector.shape_cast %get3A_150 : vector<1x16xf32> to vector<16xf32>
        %mul3A_152 = arith.constant 11.3137083 : f32
        %mul3A_153 = vector.broadcast %mul3A_152 : f32 to vector<16xf32>
        %mul3A_154 = arith.mulf %get3A_151, %mul3A_153 : vector<16xf32>
        %swap3A_155 = arith.index_cast %scan3A_100 : i32 to index
        %swap3A_156 = arith.constant 64 : index
        %swap3A_157 = tpu.vector_load %arg8[%swap3A_155, %swap3A_156] {strides = array<i32>} : memref<128x128xf32, #tpu.memory_space<vmem>>, vector<1x16xf32>,
        %swap3A_158 = vector.shape_cast %swap3A_157 : vector<1x16xf32> to vector<16xf32>
        %swap3A_159 = vector.shape_cast %mul3A_154 : vector<16xf32> to vector<1x16xf32>
        tpu.vector_store %arg8[%swap3A_155, %swap3A_156], %swap3A_159 {strides = array<i32>} : memref<128x128xf32, #tpu.memory_space<vmem>>, vector<1x16xf32>,
        %get3A_160 = arith.index_cast %scan3A_100 : i32 to index
        %get3A_161 = arith.constant 80 : index
        %get3A_162 = tpu.vector_load %arg6[%get3A_160, %get3A_161] {strides = array<i32>} : memref<128x128xf32, #tpu.memory_space<vmem>>, vector<1x16xf32>,
        %get3A_163 = vector.shape_cast %get3A_162 : vector<1x16xf32> to vector<16xf32>
        %mul3A_164 = arith.constant 11.3137083 : f32
        %mul3A_165 = vector.broadcast %mul3A_164 : f32 to vector<16xf32>
        %mul3A_166 = arith.mulf %get3A_163, %mul3A_165 : vector<16xf32>
        %swap3A_167 = arith.index_cast %scan3A_100 : i32 to index
        %swap3A_168 = arith.constant 80 : index
        %swap3A_169 = tpu.vector_load %arg8[%swap3A_167, %swap3A_168] {strides = array<i32>} : memref<128x128xf32, #tpu.memory_space<vmem>>, vector<1x16xf32>,
        %swap3A_170 = vector.shape_cast %swap3A_169 : vector<1x16xf32> to vector<16xf32>
        %swap3A_171 = vector.shape_cast %mul3A_166 : vector<16xf32> to vector<1x16xf32>
        tpu.vector_store %arg8[%swap3A_167, %swap3A_168], %swap3A_171 {strides = array<i32>} : memref<128x128xf32, #tpu.memory_space<vmem>>, vector<1x16xf32>,
        %get3A_172 = arith.index_cast %scan3A_100 : i32 to index
        %get3A_173 = arith.constant 96 : index
        %get3A_174 = tpu.vector_load %arg6[%get3A_172, %get3A_173] {strides = array<i32>} : memref<128x128xf32, #tpu.memory_space<vmem>>, vector<1x16xf32>,
        %get3A_175 = vector.shape_cast %get3A_174 : vector<1x16xf32> to vector<16xf32>
        %mul3A_176 = arith.constant 11.3137083 : f32
        %mul3A_177 = vector.broadcast %mul3A_176 : f32 to vector<16xf32>
        %mul3A_178 = arith.mulf %get3A_175, %mul3A_177 : vector<16xf32>
        %swap3A_179 = arith.index_cast %scan3A_100 : i32 to index
        %swap3A_180 = arith.constant 96 : index
        %swap3A_181 = tpu.vector_load %arg8[%swap3A_179, %swap3A_180] {strides = array<i32>} : memref<128x128xf32, #tpu.memory_space<vmem>>, vector<1x16xf32>,
        %swap3A_182 = vector.shape_cast %swap3A_181 : vector<1x16xf32> to vector<16xf32>
        %swap3A_183 = vector.shape_cast %mul3A_178 : vector<16xf32> to vector<1x16xf32>
        tpu.vector_store %arg8[%swap3A_179, %swap3A_180], %swap3A_183 {strides = array<i32>} : memref<128x128xf32, #tpu.memory_space<vmem>>, vector<1x16xf32>,
        %get3A_184 = arith.index_cast %scan3A_100 : i32 to index
        %get3A_185 = arith.constant 112 : index
        %get3A_186 = tpu.vector_load %arg6[%get3A_184, %get3A_185] {strides = array<i32>} : memref<128x128xf32, #tpu.memory_space<vmem>>, vector<1x16xf32>,
        %get3A_187 = vector.shape_cast %get3A_186 : vector<1x16xf32> to vector<16xf32>
        %mul3A_188 = arith.constant 11.3137083 : f32
        %mul3A_189 = vector.broadcast %mul3A_188 : f32 to vector<16xf32>
        %mul3A_190 = arith.mulf %get3A_187, %mul3A_189 : vector<16xf32>
        %swap3A_191 = arith.index_cast %scan3A_100 : i32 to index
        %swap3A_192 = arith.constant 112 : index
        %swap3A_193 = tpu.vector_load %arg8[%swap3A_191, %swap3A_192] {strides = array<i32>} : memref<128x128xf32, #tpu.memory_space<vmem>>, vector<1x16xf32>,
        %swap3A_194 = vector.shape_cast %swap3A_193 : vector<1x16xf32> to vector<16xf32>
        %swap3A_195 = vector.shape_cast %mul3A_190 : vector<16xf32> to vector<1x16xf32>
        tpu.vector_store %arg8[%swap3A_191, %swap3A_192], %swap3A_195 {strides = array<i32>} : memref<128x128xf32, #tpu.memory_space<vmem>>, vector<1x16xf32>,
        %scan3A_196 = arith.constant 0 : i32
        scf.yield %scan3A_196 : i32
      }
      %scan3A_51 = arith.constant 128 : i32
      %add3A_52 = arith.constant 2 : i32
      %add3A_53 = arith.addi %add3A_36, %add3A_52 : i32
      %lt3A = arith.constant 200 : i32
      %lt3A_54 = arith.cmpi slt, %add3A_53, %lt3A : i32
      %convert_element_type3A_55 = arith.extui %lt3A_54 : i1 to i32
      %cond3A_56 = arith.constant 0 : i32
      %cond3A_57 = arith.cmpi ne, %convert_element_type3A_55, %cond3A_56 : i32
      scf.if %cond3A_57 {
        %add3A_100 = arith.constant 2 : i32
        %add3A_101 = arith.addi %add3A_36, %add3A_100 : i32
        %dma_start3A_102 = arith.constant 0 : i32
        %dma_start3A_103 = tpu.memref_slice %arg5[%add3A_101, %dma_start3A_102] : memref<200x128xi32, #tpu.memory_space<vmem>> -> memref<1x128xi32, #tpu.memory_space<vmem>>
        %dma_start3A_104 = tpu.memref_squeeze %dma_start3A_103 : memref<1x128xi32, #tpu.memory_space<vmem>> -> memref<128xi32, #tpu.memory_space<vmem>>
        %dma_start3A_105 = arith.constant 0 : i32
        %dma_start3A_106 = arith.constant 0 : i32
        %dma_start3A_107 = tpu.memref_slice %arg3[%dma_start3A_105, %dma_start3A_106] : memref<1000000x128xf32, #tpu.memory_space<hbm>> -> memref<1000000x128xf32, #tpu.memory_space<hbm>>
        tpu.enqueue_indirect_dma source(%dma_start3A_107 : memref<1000000x128xf32, #tpu.memory_space<hbm>>) target(%arg6 : memref<128x128xf32, #tpu.memory_space<vmem>>) offsets(%dma_start3A_104 : memref<128xi32, #tpu.memory_space<vmem>>) semaphore(%arg10 : memref<!tpu.dma_semaphore, #tpu.memory_space<semaphore_mem>>)
      } else {
      }
      %mul3A_58 = arith.constant 128 : i32
      %mul3A_59 = arith.muli %add3A_36, %mul3A_58 : i32
      %add3A_60 = arith.addi %mul3A_2, %mul3A_59 : i32
      %dma_start3A_61 = arith.constant 0 : i32
      %dma_start3A_62 = tpu.memref_slice %arg4[%add3A_60, %dma_start3A_61] : memref<819200x128xf32, #tpu.memory_space<hbm>> -> memref<128x128xf32, #tpu.memory_space<hbm>>
      %dma_start3A_63 = arith.constant 0 : i32
      %dma_start3A_64 = tpu.memref_slice %arg4[%add3A_60, %dma_start3A_63] : memref<819200x128xf32, #tpu.memory_space<hbm>> -> memref<128x128xf32, #tpu.memory_space<hbm>>
      tpu.enqueue_dma source(%arg8 : memref<128x128xf32, #tpu.memory_space<vmem>>) target(%dma_start3A_64 : memref<128x128xf32, #tpu.memory_space<hbm>>) target_semaphore(%arg12 : memref<!tpu.dma_semaphore, #tpu.memory_space<semaphore_mem>>)
      %add3A_65 = arith.constant 1 : i32
      %add3A_66 = arith.addi %mul3A_34, %add3A_65 : i32
      %dma_wait3A_67 = arith.constant 0 : i32
      %dma_wait3A_68 = tpu.memref_slice %arg5[%add3A_66, %dma_wait3A_67] : memref<200x128xi32, #tpu.memory_space<vmem>> -> memref<1x128xi32, #tpu.memory_space<vmem>>
      %dma_wait3A_69 = tpu.memref_squeeze %dma_wait3A_68 : memref<1x128xi32, #tpu.memory_space<vmem>> -> memref<128xi32, #tpu.memory_space<vmem>>
      %dma_wait3A_70 = arith.constant 0 : i32
      %dma_wait3A_71 = arith.constant 0 : i32
      %dma_wait3A_72 = tpu.memref_slice %arg3[%dma_wait3A_70, %dma_wait3A_71] : memref<1000000x128xf32, #tpu.memory_space<hbm>> -> memref<1000000x128xf32, #tpu.memory_space<hbm>>
      tpu.wait_indirect_dma semaphore(%arg11 : memref<!tpu.dma_semaphore, #tpu.memory_space<semaphore_mem>>) src(%dma_wait3A_72 : memref<1000000x128xf32, #tpu.memory_space<hbm>>) dst(%arg7 : memref<128x128xf32, #tpu.memory_space<vmem>>)
      %ge3A_73 = arith.constant 2 : i32
      %ge3A_74 = arith.cmpi sge, %add3A_66, %ge3A_73 : i32
      %convert_element_type3A_75 = arith.extui %ge3A_74 : i1 to i32
      %cond3A_76 = arith.constant 0 : i32
      %cond3A_77 = arith.cmpi ne, %convert_element_type3A_75, %cond3A_76 : i32
      scf.if %cond3A_77 {
        %dma_wait3A_100 = arith.constant 0 : i32
        %dma_wait3A_101 = tpu.memref_slice %arg4[%mul3A_2, %dma_wait3A_100] : memref<819200x128xf32, #tpu.memory_space<hbm>> -> memref<128x128xf32, #tpu.memory_space<hbm>>
        %dma_wait3A_102 = arith.constant 0 : i32
        %dma_wait3A_103 = tpu.memref_slice %arg4[%mul3A_2, %dma_wait3A_102] : memref<819200x128xf32, #tpu.memory_space<hbm>> -> memref<128x128xf32, #tpu.memory_space<hbm>>
        tpu.wait_dma2 semaphore(%arg13 : memref<!tpu.dma_semaphore, #tpu.memory_space<semaphore_mem>>) src(%arg9 : memref<128x128xf32, #tpu.memory_space<vmem>>) dst(%dma_wait3A_103 : memref<128x128xf32, #tpu.memory_space<hbm>>)
      } else {
      }
      %scan3A_78 = arith.constant 0 : i32
      %scan3A_79 = arith.constant 0 : i32
      %scan3A_80 = arith.constant 128 : i32
      %scan3A_81 = arith.addi %scan3A_79, %scan3A_80 : i32
      %scan3A_82 = arith.constant 1 : i32
      %scan3A_83 = scf.for %scan3A_100 = %scan3A_79 to %scan3A_81 step %scan3A_82 iter_args(%scan3A_101 = %scan3A_78) -> (i32)  : i32 {
        %get3A = arith.index_cast %scan3A_100 : i32 to index
        %get3A_102 = arith.constant 0 : index
        %get3A_103 = tpu.vector_load %arg7[%get3A, %get3A_102] {strides = array<i32>} : memref<128x128xf32, #tpu.memory_space<vmem>>, vector<1x16xf32>,
        %get3A_104 = vector.shape_cast %get3A_103 : vector<1x16xf32> to vector<16xf32>
        %mul3A_105 = arith.constant 11.3137083 : f32
        %mul3A_106 = vector.broadcast %mul3A_105 : f32 to vector<16xf32>
        %mul3A_107 = arith.mulf %get3A_104, %mul3A_106 : vector<16xf32>
        %swap3A = arith.index_cast %scan3A_100 : i32 to index
        %swap3A_108 = arith.constant 0 : index
        %swap3A_109 = tpu.vector_load %arg9[%swap3A, %swap3A_108] {strides = array<i32>} : memref<128x128xf32, #tpu.memory_space<vmem>>, vector<1x16xf32>,
        %swap3A_110 = vector.shape_cast %swap3A_109 : vector<1x16xf32> to vector<16xf32>
        %swap3A_111 = vector.shape_cast %mul3A_107 : vector<16xf32> to vector<1x16xf32>
        tpu.vector_store %arg9[%swap3A, %swap3A_108], %swap3A_111 {strides = array<i32>} : memref<128x128xf32, #tpu.memory_space<vmem>>, vector<1x16xf32>,
        %get3A_112 = arith.index_cast %scan3A_100 : i32 to index
        %get3A_113 = arith.constant 16 : index
        %get3A_114 = tpu.vector_load %arg7[%get3A_112, %get3A_113] {strides = array<i32>} : memref<128x128xf32, #tpu.memory_space<vmem>>, vector<1x16xf32>,
        %get3A_115 = vector.shape_cast %get3A_114 : vector<1x16xf32> to vector<16xf32>
        %mul3A_116 = arith.constant 11.3137083 : f32
        %mul3A_117 = vector.broadcast %mul3A_116 : f32 to vector<16xf32>
        %mul3A_118 = arith.mulf %get3A_115, %mul3A_117 : vector<16xf32>
        %swap3A_119 = arith.index_cast %scan3A_100 : i32 to index
        %swap3A_120 = arith.constant 16 : index
        %swap3A_121 = tpu.vector_load %arg9[%swap3A_119, %swap3A_120] {strides = array<i32>} : memref<128x128xf32, #tpu.memory_space<vmem>>, vector<1x16xf32>,
        %swap3A_122 = vector.shape_cast %swap3A_121 : vector<1x16xf32> to vector<16xf32>
        %swap3A_123 = vector.shape_cast %mul3A_118 : vector<16xf32> to vector<1x16xf32>
        tpu.vector_store %arg9[%swap3A_119, %swap3A_120], %swap3A_123 {strides = array<i32>} : memref<128x128xf32, #tpu.memory_space<vmem>>, vector<1x16xf32>,
        %get3A_124 = arith.index_cast %scan3A_100 : i32 to index
        %get3A_125 = arith.constant 32 : index
        %get3A_126 = tpu.vector_load %arg7[%get3A_124, %get3A_125] {strides = array<i32>} : memref<128x128xf32, #tpu.memory_space<vmem>>, vector<1x16xf32>,
        %get3A_127 = vector.shape_cast %get3A_126 : vector<1x16xf32> to vector<16xf32>
        %mul3A_128 = arith.constant 11.3137083 : f32
        %mul3A_129 = vector.broadcast %mul3A_128 : f32 to vector<16xf32>
        %mul3A_130 = arith.mulf %get3A_127, %mul3A_129 : vector<16xf32>
        %swap3A_131 = arith.index_cast %scan3A_100 : i32 to index
        %swap3A_132 = arith.constant 32 : index
        %swap3A_133 = tpu.vector_load %arg9[%swap3A_131, %swap3A_132] {strides = array<i32>} : memref<128x128xf32, #tpu.memory_space<vmem>>, vector<1x16xf32>,
        %swap3A_134 = vector.shape_cast %swap3A_133 : vector<1x16xf32> to vector<16xf32>
        %swap3A_135 = vector.shape_cast %mul3A_130 : vector<16xf32> to vector<1x16xf32>
        tpu.vector_store %arg9[%swap3A_131, %swap3A_132], %swap3A_135 {strides = array<i32>} : memref<128x128xf32, #tpu.memory_space<vmem>>, vector<1x16xf32>,
        %get3A_136 = arith.index_cast %scan3A_100 : i32 to index
        %get3A_137 = arith.constant 48 : index
        %get3A_138 = tpu.vector_load %arg7[%get3A_136, %get3A_137] {strides = array<i32>} : memref<128x128xf32, #tpu.memory_space<vmem>>, vector<1x16xf32>,
        %get3A_139 = vector.shape_cast %get3A_138 : vector<1x16xf32> to vector<16xf32>
        %mul3A_140 = arith.constant 11.3137083 : f32
        %mul3A_141 = vector.broadcast %mul3A_140 : f32 to vector<16xf32>
        %mul3A_142 = arith.mulf %get3A_139, %mul3A_141 : vector<16xf32>
        %swap3A_143 = arith.index_cast %scan3A_100 : i32 to index
        %swap3A_144 = arith.constant 48 : index
        %swap3A_145 = tpu.vector_load %arg9[%swap3A_143, %swap3A_144] {strides = array<i32>} : memref<128x128xf32, #tpu.memory_space<vmem>>, vector<1x16xf32>,
        %swap3A_146 = vector.shape_cast %swap3A_145 : vector<1x16xf32> to vector<16xf32>
        %swap3A_147 = vector.shape_cast %mul3A_142 : vector<16xf32> to vector<1x16xf32>
        tpu.vector_store %arg9[%swap3A_143, %swap3A_144], %swap3A_147 {strides = array<i32>} : memref<128x128xf32, #tpu.memory_space<vmem>>, vector<1x16xf32>,
        %get3A_148 = arith.index_cast %scan3A_100 : i32 to index
        %get3A_149 = arith.constant 64 : index
        %get3A_150 = tpu.vector_load %arg7[%get3A_148, %get3A_149] {strides = array<i32>} : memref<128x128xf32, #tpu.memory_space<vmem>>, vector<1x16xf32>,
        %get3A_151 = vector.shape_cast %get3A_150 : vector<1x16xf32> to vector<16xf32>
        %mul3A_152 = arith.constant 11.3137083 : f32
        %mul3A_153 = vector.broadcast %mul3A_152 : f32 to vector<16xf32>
        %mul3A_154 = arith.mulf %get3A_151, %mul3A_153 : vector<16xf32>
        %swap3A_155 = arith.index_cast %scan3A_100 : i32 to index
        %swap3A_156 = arith.constant 64 : index
        %swap3A_157 = tpu.vector_load %arg9[%swap3A_155, %swap3A_156] {strides = array<i32>} : memref<128x128xf32, #tpu.memory_space<vmem>>, vector<1x16xf32>,
        %swap3A_158 = vector.shape_cast %swap3A_157 : vector<1x16xf32> to vector<16xf32>
        %swap3A_159 = vector.shape_cast %mul3A_154 : vector<16xf32> to vector<1x16xf32>
        tpu.vector_store %arg9[%swap3A_155, %swap3A_156], %swap3A_159 {strides = array<i32>} : memref<128x128xf32, #tpu.memory_space<vmem>>, vector<1x16xf32>,
        %get3A_160 = arith.index_cast %scan3A_100 : i32 to index
        %get3A_161 = arith.constant 80 : index
        %get3A_162 = tpu.vector_load %arg7[%get3A_160, %get3A_161] {strides = array<i32>} : memref<128x128xf32, #tpu.memory_space<vmem>>, vector<1x16xf32>,
        %get3A_163 = vector.shape_cast %get3A_162 : vector<1x16xf32> to vector<16xf32>
        %mul3A_164 = arith.constant 11.3137083 : f32
        %mul3A_165 = vector.broadcast %mul3A_164 : f32 to vector<16xf32>
        %mul3A_166 = arith.mulf %get3A_163, %mul3A_165 : vector<16xf32>
        %swap3A_167 = arith.index_cast %scan3A_100 : i32 to index
        %swap3A_168 = arith.constant 80 : index
        %swap3A_169 = tpu.vector_load %arg9[%swap3A_167, %swap3A_168] {strides = array<i32>} : memref<128x128xf32, #tpu.memory_space<vmem>>, vector<1x16xf32>,
        %swap3A_170 = vector.shape_cast %swap3A_169 : vector<1x16xf32> to vector<16xf32>
        %swap3A_171 = vector.shape_cast %mul3A_166 : vector<16xf32> to vector<1x16xf32>
        tpu.vector_store %arg9[%swap3A_167, %swap3A_168], %swap3A_171 {strides = array<i32>} : memref<128x128xf32, #tpu.memory_space<vmem>>, vector<1x16xf32>,
        %get3A_172 = arith.index_cast %scan3A_100 : i32 to index
        %get3A_173 = arith.constant 96 : index
        %get3A_174 = tpu.vector_load %arg7[%get3A_172, %get3A_173] {strides = array<i32>} : memref<128x128xf32, #tpu.memory_space<vmem>>, vector<1x16xf32>,
        %get3A_175 = vector.shape_cast %get3A_174 : vector<1x16xf32> to vector<16xf32>
        %mul3A_176 = arith.constant 11.3137083 : f32
        %mul3A_177 = vector.broadcast %mul3A_176 : f32 to vector<16xf32>
        %mul3A_178 = arith.mulf %get3A_175, %mul3A_177 : vector<16xf32>
        %swap3A_179 = arith.index_cast %scan3A_100 : i32 to index
        %swap3A_180 = arith.constant 96 : index
        %swap3A_181 = tpu.vector_load %arg9[%swap3A_179, %swap3A_180] {strides = array<i32>} : memref<128x128xf32, #tpu.memory_space<vmem>>, vector<1x16xf32>,
        %swap3A_182 = vector.shape_cast %swap3A_181 : vector<1x16xf32> to vector<16xf32>
        %swap3A_183 = vector.shape_cast %mul3A_178 : vector<16xf32> to vector<1x16xf32>
        tpu.vector_store %arg9[%swap3A_179, %swap3A_180], %swap3A_183 {strides = array<i32>} : memref<128x128xf32, #tpu.memory_space<vmem>>, vector<1x16xf32>,
        %get3A_184 = arith.index_cast %scan3A_100 : i32 to index
        %get3A_185 = arith.constant 112 : index
        %get3A_186 = tpu.vector_load %arg7[%get3A_184, %get3A_185] {strides = array<i32>} : memref<128x128xf32, #tpu.memory_space<vmem>>, vector<1x16xf32>,
        %get3A_187 = vector.shape_cast %get3A_186 : vector<1x16xf32> to vector<16xf32>
        %mul3A_188 = arith.constant 11.3137083 : f32
        %mul3A_189 = vector.broadcast %mul3A_188 : f32 to vector<16xf32>
        %mul3A_190 = arith.mulf %get3A_187, %mul3A_189 : vector<16xf32>
        %swap3A_191 = arith.index_cast %scan3A_100 : i32 to index
        %swap3A_192 = arith.constant 112 : index
        %swap3A_193 = tpu.vector_load %arg9[%swap3A_191, %swap3A_192] {strides = array<i32>} : memref<128x128xf32, #tpu.memory_space<vmem>>, vector<1x16xf32>,
        %swap3A_194 = vector.shape_cast %swap3A_193 : vector<1x16xf32> to vector<16xf32>
        %swap3A_195 = vector.shape_cast %mul3A_190 : vector<16xf32> to vector<1x16xf32>
        tpu.vector_store %arg9[%swap3A_191, %swap3A_192], %swap3A_195 {strides = array<i32>} : memref<128x128xf32, #tpu.memory_space<vmem>>, vector<1x16xf32>,
        %scan3A_196 = arith.constant 0 : i32
        scf.yield %scan3A_196 : i32
      }
      %scan3A_84 = arith.constant 128 : i32
      %add3A_85 = arith.constant 2 : i32
      %add3A_86 = arith.addi %add3A_66, %add3A_85 : i32
      %lt3A_87 = arith.constant 200 : i32
      %lt3A_88 = arith.cmpi slt, %add3A_86, %lt3A_87 : i32
      %convert_element_type3A_89 = arith.extui %lt3A_88 : i1 to i32
      %cond3A_90 = arith.constant 0 : i32
      %cond3A_91 = arith.cmpi ne, %convert_element_type3A_89, %cond3A_90 : i32
      scf.if %cond3A_91 {
        %add3A_100 = arith.constant 2 : i32
        %add3A_101 = arith.addi %add3A_66, %add3A_100 : i32
        %dma_start3A_102 = arith.constant 0 : i32
        %dma_start3A_103 = tpu.memref_slice %arg5[%add3A_101, %dma_start3A_102] : memref<200x128xi32, #tpu.memory_space<vmem>> -> memref<1x128xi32, #tpu.memory_space<vmem>>
        %dma_start3A_104 = tpu.memref_squeeze %dma_start3A_103 : memref<1x128xi32, #tpu.memory_space<vmem>> -> memref<128xi32, #tpu.memory_space<vmem>>
        %dma_start3A_105 = arith.constant 0 : i32
        %dma_start3A_106 = arith.constant 0 : i32
        %dma_start3A_107 = tpu.memref_slice %arg3[%dma_start3A_105, %dma_start3A_106] : memref<1000000x128xf32, #tpu.memory_space<hbm>> -> memref<1000000x128xf32, #tpu.memory_space<hbm>>
        tpu.enqueue_indirect_dma source(%dma_start3A_107 : memref<1000000x128xf32, #tpu.memory_space<hbm>>) target(%arg7 : memref<128x128xf32, #tpu.memory_space<vmem>>) offsets(%dma_start3A_104 : memref<128xi32, #tpu.memory_space<vmem>>) semaphore(%arg11 : memref<!tpu.dma_semaphore, #tpu.memory_space<semaphore_mem>>)
      } else {
      }
      %mul3A_92 = arith.constant 128 : i32
      %mul3A_93 = arith.muli %add3A_66, %mul3A_92 : i32
      %add3A_94 = arith.addi %mul3A_2, %mul3A_93 : i32
      %dma_start3A_95 = arith.constant 0 : i32
      %dma_start3A_96 = tpu.memref_slice %arg4[%add3A_94, %dma_start3A_95] : memref<819200x128xf32, #tpu.memory_space<hbm>> -> memref<128x128xf32, #tpu.memory_space<hbm>>
      %dma_start3A_97 = arith.constant 0 : i32
      %dma_start3A_98 = tpu.memref_slice %arg4[%add3A_94, %dma_start3A_97] : memref<819200x128xf32, #tpu.memory_space<hbm>> -> memref<128x128xf32, #tpu.memory_space<hbm>>
      tpu.enqueue_dma source(%arg9 : memref<128x128xf32, #tpu.memory_space<vmem>>) target(%dma_start3A_98 : memref<128x128xf32, #tpu.memory_space<hbm>>) target_semaphore(%arg13 : memref<!tpu.dma_semaphore, #tpu.memory_space<semaphore_mem>>)
      %scan3A_99 = arith.constant 0 : i32
      scf.yield %scan3A_99 : i32
    }
    %scan3A_23 = arith.constant 100 : i32
    %dma_wait3A = arith.constant 0 : i32
    %dma_wait3A_24 = tpu.memref_slice %arg4[%mul3A_2, %dma_wait3A] : memref<819200x128xf32, #tpu.memory_space<hbm>> -> memref<128x128xf32, #tpu.memory_space<hbm>>
    %dma_wait3A_25 = arith.constant 0 : i32
    %dma_wait3A_26 = tpu.memref_slice %arg4[%mul3A_2, %dma_wait3A_25] : memref<819200x128xf32, #tpu.memory_space<hbm>> -> memref<128x128xf32, #tpu.memory_space<hbm>>
    tpu.wait_dma2 semaphore(%arg12 : memref<!tpu.dma_semaphore, #tpu.memory_space<semaphore_mem>>) src(%arg8 : memref<128x128xf32, #tpu.memory_space<vmem>>) dst(%dma_wait3A_26 : memref<128x128xf32, #tpu.memory_space<hbm>>)
    %dma_wait3A_27 = arith.constant 0 : i32
    %dma_wait3A_28 = tpu.memref_slice %arg4[%mul3A_2, %dma_wait3A_27] : memref<819200x128xf32, #tpu.memory_space<hbm>> -> memref<128x128xf32, #tpu.memory_space<hbm>>
    %dma_wait3A_29 = arith.constant 0 : i32
    %dma_wait3A_30 = tpu.memref_slice %arg4[%mul3A_2, %dma_wait3A_29] : memref<819200x128xf32, #tpu.memory_space<hbm>> -> memref<128x128xf32, #tpu.memory_space<hbm>>
    tpu.wait_dma2 semaphore(%arg13 : memref<!tpu.dma_semaphore, #tpu.memory_space<semaphore_mem>>) src(%arg9 : memref<128x128xf32, #tpu.memory_space<vmem>>) dst(%dma_wait3A_30 : memref<128x128xf32, #tpu.memory_space<hbm>>)
    return
  }
}

</mosaic_0001>

<sc_bundles>
// kernel: kernel.3.cloned.1.call-start
scs
__scs_entry_jumppad:
0x0: {  	(pc) =	sbr.rel $0x88, $3  }
0x1: {  	(tag) =	ssettag $0x0;
	lr =	simm.s32 $0x1  }
0x2: {  	[smem:$0x3F9F] =	sst lr;
	_ =	strace $0xD0000000  }
0x3: {  	_ = 	snop  }
0x4: {  	_ = 	snop  }
0x5: {  	_ = 	snop  }
0x6: {  	_ = 	snop  }
0x7: {  	_ = 	snop  }
__scs_overlays_trampoline_lowered:
0x8: {  	[smem:$0x3FAE] =	sst s0  }
0x9: {  	[smem:$0x3FAF] =	sst s1  }
0xa: {  	[smem:$0x3FB0] =	sst s2  }
0xb: {  	[smem:$0x3FB1] =	sst s3  }
0xc: {  	[smem:$0x3FB2] =	sst s4  }
0xd: {  	[smem:$0x3FB3] =	sst s5  }
0xe: {  	[smem:$0x3FB4] =	sst s6  }
0xf: {  	[smem:$0x3FB5] =	sst s7  }
0x10: {  	[smem:$0x3FB6] =	sst s8  }
0x11: {  	[smem:$0x3FB7] =	sst s9;
	s0 =	simm.s32 @!p0 $0x0  }
0x12: {  	s1 =	sld [smem:$0x3F9D];
	s0 =	simm.s32 @p0 $0x1  }
0x13: {  	[smem:$0x3FB8] =	sst s0;
	s0 =	simm.s32 @!p1 $0x0  }
0x14: {  	s2 =	sld [smem:$0x3F9C];
	s0 =	simm.s32 @p1 $0x1  }
0x15: {  	[smem:$0x3FB9] =	sst s0;
	s0 =	simm.s32 @!p2 $0x0  }
0x16: {  	s3 =	sld [smem:$0x3FDB];
	s0 =	simm.s32 @p2 $0x1  }
0x17: {  	s4 =	simm.s32 $0x1BF5;
	[smem:$0x3FBB] =	sst s0  }
0x18: {  	s0 =	sld [smem:$0x3F9E];
	_ =	swait.ge [sflag:s4], $0x0  }
0x19: {  	s7 =	sld [smem:$0x3F9F]  }
0x1a: {  	s8 =	sadd.s32 $0xFFFFE003, lr  }
0x1b: {  	s9 =	sadd.s32 $0xFFFFFEF7, lr;
	s5 =	simm.s32 $0xFFFFFFFF;
	p2 =	slt.u32 s8, $0xFFFFF086  }
0x1c: {  	p1 =	slt.u32 s9, $0xF7A;
	s5 =	simm.s32 @!p2 $0x0  }
0x1d: {  	s5 =	simm.s32 @p1 $0x1;
	p0 =	seq.s32 s7, s2  }
0x1e: {  	s7 =	smul.u32 @!p0 $0xF7A, s2;
	p2 =	seq.s32 @!p0 s5, $0x0  }
0x1f: {  	s9 =	smul.u32 $0xF7A, s1;
	s8 =	simm.s32 @!p0 $0x1BF5;
	p2 =	por !p2, p0  }
0x20: {  	[sflag:s8] =	ssyncset.s32 @!p0 $0xFFFFF086;
	s6 =	sadd.s32 @!p0 s3, s7;
	s7 =	simm.s32 @!p0 $0x108  }
0x21: {  	s3 =	sadd.s32 s3, s9;
	s6 =	sadd.s32 @!p0 $0x88, s6;
	s7 =	simm.s32 @p2 $0x1082  }
0x22: {  	[simem:s7], [sflag:s8] =	dma.local @!p0 [hbm:s6], $0xF7A  }
0x23: {  	s9 =	sor.u32 $0xD0000000, s2;
	s6 =	simm.s32 $0x108;
	_ =	swait.ge @!p0 [sflag:s8], $0x0  }
0x24: {  	s3 =	sadd.s32 $0x88, s3;
	s6 =	simm.s32 @!p1 $0x1082;
	[sflag:s4] =	ssyncset.s32 $0xFFFFF086  }
0x25: {  	[simem:s6], [sflag:s4] =	dma.local [hbm:s3], $0xF7A  }
0x26: {  	[smem:$0x3F9F] =	sst s1;
	(tag) =	ssettag s2;
	_ =	strace s9  }
0x27: {  	s1 =	sld [smem:$0x3FAF]  }
0x28: {  	s2 =	sld [smem:$0x3FB0]  }
0x29: {  	s4 =	sld [smem:$0x3FB2]  }
0x2a: {  	p0 =	seq.s32 s5, $0x0;
	s5 =	sld [smem:$0x3FB3]  }
0x2b: {  	s6 =	sld [smem:$0x3FB4]  }
0x2c: {  	s7 =	sld [smem:$0x3FB5]  }
0x2d: {  	s3 =	simm.s32 $0x108;
	s8 =	sld [smem:$0x3FB6]  }
0x2e: {  	s3 =	simm.s32 @!p0 $0x1082;
	s9 =	sld [smem:$0x3FB7]  }
0x2f: {  	lr =	sadd.s32 s0, s3;
	s0 =	sld [smem:$0x3FAE]  }
0x30: {  	s3 =	sld [smem:$0x3FB1]  }
0x31: {  	[smem:$0x3FBA] =	sst s10  }
0x32: {  	s10 =	sld [smem:$0x3FB8];
	_ =	sdelay $0x3  }
0x33: {  	p0 =	seq.s32 s10, $0x1;
	s10 =	sld [smem:$0x3FBA];
	_ =	sdelay $0x3  }
0x34: {  	[smem:$0x3FBA] =	sst s10  }
0x35: {  	s10 =	sld [smem:$0x3FB9];
	_ =	sdelay $0x3  }
0x36: {  	p1 =	seq.s32 s10, $0x1;
	s10 =	sld [smem:$0x3FBA];
	_ =	sdelay $0x3  }
0x37: {  	[smem:$0x3FBA] =	sst s10  }
0x38: {  	s10 =	sld [smem:$0x3FBB]  }
0x39: {  	_ = 	snop;
	(pc) =	sbr.ind lr, $3  }
0x3a: {  	_ = 	snop  }
0x3b: {  	_ = 	snop  }
0x3c: {  	p2 =	seq.s32 s10, $0x1;
	s10 =	sld [smem:$0x3FBA]  }
0x3d: {  	_ =	shalt  }
0x3e: {  	_ =	shalt  }
0x3f: {  	_ =	shalt  }
0x40: {  	_ =	shalt  }
0x41: {  	_ =	shalt  }
0x42: {  	_ =	shalt  }
0x43: {  	_ =	shalt  }
0x44: {  	_ =	shalt  }
0x45: {  	_ =	shalt  }
0x46: {  	_ =	shalt  }
0x47: {  	_ =	shalt  }
0x48: {  	_ =	shalt  }
0x49: {  	_ =	shalt  }
0x4a: {  	_ =	shalt  }
0x4b: {  	_ =	shalt  }
0x4c: {  	_ =	shalt  }
0x4d: {  	_ =	shalt  }
0x4e: {  	_ =	shalt  }
0x4f: {  	_ =	shalt  }
0x50: {  	_ =	shalt  }
0x51: {  	_ =	shalt  }
0x52: {  	_ =	shalt  }
0x53: {  	_ =	shalt  }
0x54: {  	_ =	shalt  }
0x55: {  	_ =	shalt  }
0x56: {  	_ =	shalt  }
0x57: {  	_ =	shalt  }
0x58: {  	_ =	shalt  }
0x59: {  	_ =	shalt  }
0x5a: {  	_ =	shalt  }
0x5b: {  	_ =	shalt  }
0x5c: {  	_ =	shalt  }
0x5d: {  	_ =	shalt  }
0x5e: {  	_ =	shalt  }
0x5f: {  	_ =	shalt  }
0x60: {  	_ =	shalt  }
0x61: {  	_ =	shalt  }
0x62: {  	_ =	shalt  }
0x63: {  	_ =	shalt  }
0x64: {  	_ =	shalt  }
0x65: {  	_ =	shalt  }
0x66: {  	_ =	shalt  }
0x67: {  	_ =	shalt  }
0x68: {  	_ =	shalt  }
0x69: {  	_ =	shalt  }
0x6a: {  	_ =	shalt  }
0x6b: {  	_ =	shalt  }
0x6c: {  	_ =	shalt  }
0x6d: {  	_ =	shalt  }
0x6e: {  	_ =	shalt  }
0x6f: {  	_ =	shalt  }
0x70: {  	_ =	shalt  }
0x71: {  	_ =	shalt  }
0x72: {  	_ =	shalt  }
0x73: {  	_ =	shalt  }
0x74: {  	_ =	shalt  }
0x75: {  	_ =	shalt  }
0x76: {  	_ =	shalt  }
0x77: {  	_ =	shalt  }
0x78: {  	_ =	shalt  }
0x79: {  	_ =	shalt  }
0x7a: {  	_ =	shalt  }
0x7b: {  	_ =	shalt  }
0x7c: {  	_ =	shalt  }
0x7d: {  	_ =	shalt  }
0x7e: {  	_ =	shalt  }
0x7f: {  	_ =	shalt  }
0x80: {  	_ =	shalt  }
0x81: {  	_ =	shalt  }
0x82: {  	_ =	shalt  }
0x83: {  	_ =	shalt  }
0x84: {  	_ =	shalt  }
0x85: {  	_ =	shalt  }
0x86: {  	_ =	shalt  }
0x87: {  	_ =	shalt  }
.Lfunc_end0:
.L_simem_size_0:
called_computation_lowered:
.L_overlay_start_0:
0x88: {  	s2 =	sld [smem:$0x3FD9]  }
0x89: {  	s3 =	sld [smem:$0x3FFE];
	_ =	sdelay $0x1  }
0x8a: {  	s1 =	srdreg.scid  }
0x8b: {  	s0 =	sand.u32 $0x1, s1  }
0x8c: {  	s17 =	sshll.u32 s0, $0xA;
	s2 =	sadd.s32 s3, s2  }
0x8d: {  	s2 =	sadd.s32 s2, s17  }
0x8e: {  	[smem:$0x3FC6] =	sst s2  }
0x8f: {  	_ = 	snop  }
0x90: {  	s2 =	sld [smem:$0x3FC8]  }
0x91: {  	s18 =	sld [smem:$0x3FD0];
	(tm) =	ssettm $0x1  }
0x92: {  	s4 =	sld [smem:$0x3FFB];
	_ =	sdelay $0x3  }
0x93: {  	_ =	strace s4  }
0x94: {  	s4 =	sld [smem:$0x3FFC];
	_ =	sdelay $0x3  }
0x95: {  	_ =	strace s4  }
0x96: {  	s4 =	sld [smem:$0x3FFD];
	_ =	sdelay $0x3  }
0x97: {  	_ =	strace s4  }
0x98: {  	_ =	strace $0x8FFFFFFF  }
0x99: {  	s19 =	sld [smem:$0x3FDB];
	_ =	sdelay $0x1  }
0x9a: {  	s5 =	simm.s32 $_scs_section_size  }
0x9b: {  	s6 =	simm.s32 $_size__tile_overlayer_lowered;
	s7 =	simm.s32 $_tile_overlayer_lowered  }
0x9c: {  	s22 =	simm.s32 $0x1BFF;
	s21 =	sshll.u32 s7, $0x1;
	s4 =	sadd.s32 s5, s19  }
0x9d: {  	s8 =	simm.s32 $0x0;
	s20 =	sshll.u32 s6, $0x1;
	s6 =	sadd.s32 s21, s4  }
0x9e: {  	[timem:s8], [sflag:s22] =	dma.local [hbm:s6], s20  }
0x9f: {  	_ =	swait.ge [sflag:s22], s20  }
0xa0: {  	s5 =	ssub.s32 $0x0, s20;
	[sflag:s22] =	ssyncset.done $0x0  }
0xa1: {  	[sflag:s22] =	ssyncadd.s32 s5;
	_ =	sdelay $0x1  }
0xa2: {  	s23 =	simm.s32 $0x1B8B  }
0xa3: {  	_ =	swait.ge [sflag:s23], $0x1  }
0xa4: {  	[sflag:s23] =	ssyncset.done $0x0  }
0xa5: {  	s25 =	simm.s32 $0x1B8E;
	s24 =	sld [smem:$0x3FFE];
	[sflag:s23] =	ssyncadd.s32 $0xFFFFFFFF  }
0xa6: {  	s26 =	simm.s32 $execute0_lowered;
	[smem:$0x3FD2] =	sst s25  }
0xa7: {  	s6 =	sshll.u32 s26, $0x1;
	_ =	strace $0x80000046;
	[dreg:$0x1] =	wrdreg $0xFFFFFFFF  }
0xa8: {  	s28 =	simm.s32 $_size_execute0_lowered;
	s4 =	sadd.s32 s4, s6;
	[dreg:$0x0] =	wrdreg $0x0  }
0xa9: {  	s6 =	sshll.u32 s28, $0x1;
	[dreg:$0x2] =	wrdreg s4  }
0xaa: {  	[dreg:$0x3] =	wrdreg s6  }
0xab: {  	[dreg:$0x4] =	wrdreg $0xC0  }
0xac: {  	_ =	task [dreg:s8], $0x5FFFF  }
0xad: {  	[dreg:$0x1] =	wrdreg $0xFFFFFFFF  }
0xae: {  	[dreg:$0x0] =	wrdreg $0x60  }
0xaf: {  	[dreg:$0x2] =	wrdreg s24  }
0xb0: {  	[dreg:$0x3] =	wrdreg s2  }
0xb1: {  	[dreg:$0x4] =	wrdreg s18  }
0xb2: {  	[dreg:$0x5] =	wrdreg $0x9  }
0xb3: {  	_ =	task.clear_ibuf [dreg:s8], $0x6FFFF;
	_ =	strace $0x90000046  }
0xb4: {  	s29 =	simm.s32 $0x9;
	_ =	strace $0x80000048  }
0xb5: {  	_ =	swait.ge [sflag:s29], $0x1  }
0xb6: {  	[sflag:s29] =	ssyncadd.s32 $0xFFFFFFFF  }
0xb7: {  	_ =	strace $0x90000048  }
0xb8: {  	_ =	sfence  }
0xb9: {  	s30 =	sld [smem:$0x0];
	_ =	sdelay $0x2  }
0xba: {  	s31 =	sshll.u32 s1, $0xD;
	s1 =	sshrl.u32 s1, $0x2  }
0xbb: {  	s3 =	sand.u32 $0x4000, s31;
	s1 =	sadd.s32 s1, s30  }
0xbc: {  	s0 =	sor.u32 s3, s0;
	s1 =	sshll.u32 s1, $0x11  }
0xbd: {  	s0 =	sor.u32 s1, s0  }
0xbe: {  	s0 =	sadd.s32 $0x8F2B, s0  }
0xbf: {  	[sflag:s0] =	ssyncadd.remote.s32 $0x1  }
0xc0: {  	_ =	sfence.sel $0xFFFF  }
0xc1: {  	[dreg:$0x0] =	wrdreg $0xFFFFFFFF;
	(pc) =	sbr.abs _section_cstart, $3  }
0xc2: {  	[dreg:$0x1] =	wrdreg $0xFFFFFFFF  }
0xc3: {  	_ =	task.clear_ibuf [dreg:s8], $0x2FFFF;
	_ =	strace $0x9FFFFFFF  }
0xc4: {  	(tm) =	ssettm $0x7FFFFFFF  }
0xc5: {  	_ =	shalt  }
tec
execute0_lowered:
.L_overlay_start_1:
0x0: {  	(tag) =	ssettag $0x1  }
0x1: {  	s5 =	rddreg [dreg:$0x0]  }
0x2: {  	s2 =	rddreg [dreg:$0x1]  }
0x3: {  	s0 =	srdreg.scid;
	s3 =	rddreg [dreg:$0x2]  }
0x4: {  	s4 =	simm.s32 $0x0;
	s10 =	simm.s32 $0x80;
	s11 =	simm.s32 $0x6400  }
0x5: {  	s12 =	simm.s32 $0xA400;
	s13 =	simm.s32 $0x1;
	s14 =	simm.s32 $0xE400  }
0x6: {  	s15 =	simm.s32 $0x2;
	s16 =	simm.s32 $0x12400;
	s6 =	sand.u32 $0x1, s0  }
0x7: {  	s17 =	simm.s32 $0x3;
	s0 =	stileid.u32;
	s1 =	sshll.u32 s6, $0x4  }
0x8: {  	s18 =	simm.s32 $0x4;
	s19 =	simm.s32 $0x0;
	s7 =	sor.u32 s0, s1  }
0x9: {  	[smem:$0x7FF] =	sst s4;
	s6 =	ssub.s32 $0x2, s6;
	s8 =	smul.u32 $0xC80, s7  }
0xa: {  	s1 =	rddreg [dreg:$0x3];
	s30 =	sshrl.u32 s6, $0x1;
	s9 =	smul.u32 $0x64000, s7  }
0xb: {  	_ =	strace $0x80000047;
	s5 =	sadd.s32 s8, s5;
	s8 =	ssub.s32 s6, s30  }
0xc: {  	s6 =	smul.u32 $0x320000, s7;
	s31 =	sadd.s32 s9, s3;
	s9 =	simm.s32 $0x5  }
0xd: {  	s5 =	sadd.s32 $0x400, s5;
	s7 =	smax.u32 s8, $0x1;
	s8 =	sadd.s32 $0x800, s31  }
.LBB2_1:
0xe: {  	[tilespmem:s4], [sflag:$0x5] =	stream.linear.gather [hbm4b:s5+s4], $0x6400, $0x38;
	[tilespmem:$0x16400] =	vst v63  }
0xf: {  	_ =	swait.ge [sflag:s9], $0x6400  }
0x10: {  	[sflag:s9] =	ssyncset.done $0x0  }
0x11: {  	[sflag:s9] =	ssyncadd.s32 $0xFFFF9C00  }
0x12: {  	[tilespmem:s11], [sflag:$0x1] =	stream.indirect.gather [hbm4b:s2+s10], $0x80, s4, s10, $0xb8;
	[tilespmem:$0x16400] =	vst v63  }
0x13: {  	s20 =	simm.s32 $0x0  }
0x14: {  	[tilespmem:s12], [sflag:$0x2] =	stream.indirect.gather [hbm4b:s2+s10], $0x80, s10, s10, $0xb8;
	[tilespmem:$0x16400] =	vst v63  }
.LBB2_2:
0x15: {  	_ =	swait.ge [sflag:s13], $0x4000  }
0x16: {  	p0 =	seq.s32 s20, $0x0;
	[sflag:s13] =	ssyncset.done $0x0  }
0x17: {  	s21 =	simm.s32 @!p0 $0x3;
	[sflag:s13] =	ssyncadd.s32 $0xFFFFC000  }
0x18: {  	_ =	swait.ge @!p0 [sflag:s21], $0x4000  }
0x19: {  	[sflag:s21] =	ssyncset.done @!p0 $0x0  }
0x1a: {  	s23 =	simm.s32 $0x0;
	[sflag:s21] =	ssyncadd.s32 @!p0 $0xFFFFC000  }
0x1b: {  	v1 =	vld [tilespmem:s23+$0x6470]  }
0x1c: {  	v5 =	vld [tilespmem:s23+$0x6400]  }
0x1d: {  	v6 =	vld [tilespmem:s23+$0x6410]  }
0x1e: {  	v4 =	vld [tilespmem:s23+$0x6420]  }
0x1f: {  	v3 =	vld [tilespmem:s23+$0x6430]  }
0x20: {  	v0 =	vld [tilespmem:s23+$0x6440];
	v7 =	vmul.f32 $1.131370830e+01, v1  }
0x21: {  	v1 =	vld [tilespmem:s23+$0x6450];
	v5 =	vmul.f32 $1.131370830e+01, v5  }
0x22: {  	s22 =	simm.s32 $0x80;
	s24 =	simm.s32 $0x400;
	s21 =	sshll.u32 s20, $0xA;
	v2 =	vld [tilespmem:s23+$0x6460];
	v6 =	vmul.f32 $1.131370830e+01, v6;
	[tilespmem:s23+$0xE470] =	vst v7  }
.LBB2_3:
0x23: {  	p1 =	sne.s32 s24, $0xFE00;
	v7 =	vld [tilespmem:s22+$0x6470];
	[tilespmem:s23+$0xE400] =	vst v5;
	v4 =	vmul.f32 $1.131370830e+01, v4  }
0x24: {  	v5 =	vld [tilespmem:s22+$0x6400];
	[tilespmem:s23+$0xE410] =	vst v6;
	v3 =	vmul.f32 $1.131370830e+01, v3  }
0x25: {  	v6 =	vld [tilespmem:s22+$0x6410];
	[tilespmem:s23+$0xE420] =	vst v4;
	v0 =	vmul.f32 $1.131370830e+01, v0  }
.Ltmp0:
0x26: {  	v4 =	vld [tilespmem:s22+$0x6420];
	[tilespmem:s23+$0xE430] =	vst v3;
	v1 =	vmul.f32 $1.131370830e+01, v1;
	(pc) =	sbr.rel @p1 .LBB2_3-.Ltmp0, $4  }
0x27: {  	v3 =	vld [tilespmem:s22+$0x6430];
	[tilespmem:s23+$0xE440] =	vst v0;
	v2 =	vmul.f32 $1.131370830e+01, v2  }
0x28: {  	v0 =	vld [tilespmem:s22+$0x6440];
	v7 =	vmul.f32 $1.131370830e+01, v7;
	[tilespmem:s23+$0xE450] =	vst v1  }
0x29: {  	v5 =	vmul.f32 $1.131370830e+01, v5;
	v1 =	vld [tilespmem:s22+$0x6450];
	[tilespmem:s23+$0xE460] =	vst v2;
	s23 =	smov.u32 s22  }
0x2a: {  	s22 =	sshra.s32 s24, $0x2;
	s24 =	sadd.s32 $0x200, s24;
	v6 =	vmul.f32 $1.131370830e+01, v6;
	v2 =	vld [tilespmem:s23+$0x6460];
	[tilespmem:s23+$0xE470] =	vst v7  }
0x2b: {  	v7 =	vld [tilespmem:s22+$0x6470];
	[tilespmem:s23+$0xE400] =	vst v5;
	v4 =	vmul.f32 $1.131370830e+01, v4  }
0x2c: {  	v5 =	vld [tilespmem:s22+$0x6400];
	[tilespmem:s23+$0xE410] =	vst v6;
	v3 =	vmul.f32 $1.131370830e+01, v3  }
0x2d: {  	v6 =	vld [tilespmem:s22+$0x6410];
	[tilespmem:s23+$0xE420] =	vst v4;
	v0 =	vmul.f32 $1.131370830e+01, v0  }
0x2e: {  	v4 =	vld [tilespmem:s22+$0x6420];
	[tilespmem:s23+$0xE430] =	vst v3;
	v1 =	vmul.f32 $1.131370830e+01, v1  }
0x2f: {  	v3 =	vld [tilespmem:s22+$0x6430];
	[tilespmem:s23+$0xE440] =	vst v0;
	v2 =	vmul.f32 $1.131370830e+01, v2  }
0x30: {  	v0 =	vld [tilespmem:s22+$0x6440];
	[tilespmem:s23+$0xE450] =	vst v1;
	v7 =	vmul.f32 $1.131370830e+01, v7  }
0x31: {  	v1 =	vld [tilespmem:s22+$0x6450];
	[tilespmem:s23+$0xE460] =	vst v2;
	v2 =	vmul.f32 $1.131370830e+01, v5  }
0x32: {  	v5 =	vld [tilespmem:s22+$0x6460];
	v6 =	vmul.f32 $1.131370830e+01, v6;
	[tilespmem:s22+$0xE470] =	vst v7  }
0x33: {  	[tilespmem:s22+$0xE400] =	vst v2;
	v2 =	vmul.f32 $1.131370830e+01, v4  }
0x34: {  	[tilespmem:s22+$0xE410] =	vst v6;
	v3 =	vmul.f32 $1.131370830e+01, v3  }
0x35: {  	[tilespmem:s22+$0xE420] =	vst v2;
	v0 =	vmul.f32 $1.131370830e+01, v0  }
0x36: {  	[tilespmem:s22+$0xE430] =	vst v3;
	v1 =	vmul.f32 $1.131370830e+01, v1  }
0x37: {  	p1 =	seq.s32 s20, $0x63;
	[tilespmem:s22+$0xE440] =	vst v0;
	v0 =	vmul.f32 $1.131370830e+01, v5  }
0x38: {  	s31 =	sshll.u32 s20, $0xF;
	s21 =	sshrl.u32 @!p1 s21, $0x2;
	[tilespmem:s22+$0xE450] =	vst v1  }
0x39: {  	s24 =	simm.s32 @!p1 $0x6400;
	s23 =	simm.s32 @!p1 $0x80;
	[tilespmem:s22+$0xE460] =	vst v0;
	s22 =	sadd.s32 @!p1 $0x100, s21  }
0x3a: {  	[tilespmem:s24], [sflag:$0x1] =	stream.indirect.gather @!p1 [hbm4b:s2+s23], $0x80, s22, s23, $0xb8;
	[tilespmem:$0x16400] =	vst v63  }
0x3b: {  	s22 =	sadd.s32 s6, s31  }
0x3c: {  	s22 =	sshrl.u32 s22, $0x3  }
0x3d: {  	s22 =	sadd.s32 s3, s22  }
0x3e: {  	[hbm4b:s22+s4] =	stream.linear.scatter [tilespmem:s14], [sflag:$0x3], $0x4000, $0x38;
	[tilespmem:$0x16400] =	vst v63  }
0x3f: {  	_ =	swait.ge [sflag:s15], $0x4000  }
0x40: {  	[sflag:s15] =	ssyncset.done $0x0  }
0x41: {  	s22 =	simm.s32 @!p0 $0x4;
	[sflag:s15] =	ssyncadd.s32 $0xFFFFC000  }
0x42: {  	_ =	swait.ge @!p0 [sflag:s22], $0x4000  }
0x43: {  	[sflag:s22] =	ssyncset.done @!p0 $0x0  }
0x44: {  	s23 =	simm.s32 $0x0;
	[sflag:s22] =	ssyncadd.s32 @!p0 $0xFFFFC000  }
0x45: {  	v1 =	vld [tilespmem:s23+$0xA470]  }
0x46: {  	v5 =	vld [tilespmem:s23+$0xA400]  }
0x47: {  	v6 =	vld [tilespmem:s23+$0xA410]  }
0x48: {  	v4 =	vld [tilespmem:s23+$0xA420]  }
0x49: {  	v3 =	vld [tilespmem:s23+$0xA430]  }
0x4a: {  	v0 =	vld [tilespmem:s23+$0xA440];
	v7 =	vmul.f32 $1.131370830e+01, v1  }
0x4b: {  	v1 =	vld [tilespmem:s23+$0xA450];
	v5 =	vmul.f32 $1.131370830e+01, v5  }
0x4c: {  	s24 =	simm.s32 $0x400;
	s22 =	simm.s32 $0x80;
	v2 =	vld [tilespmem:s23+$0xA460];
	v6 =	vmul.f32 $1.131370830e+01, v6;
	[tilespmem:s23+$0x12470] =	vst v7  }
.LBB2_5:
0x4d: {  	p0 =	sne.s32 s24, $0xFE00;
	v7 =	vld [tilespmem:s22+$0xA470];
	[tilespmem:s23+$0x12400] =	vst v5;
	v4 =	vmul.f32 $1.131370830e+01, v4  }
0x4e: {  	v5 =	vld [tilespmem:s22+$0xA400];
	[tilespmem:s23+$0x12410] =	vst v6;
	v3 =	vmul.f32 $1.131370830e+01, v3  }
0x4f: {  	v6 =	vld [tilespmem:s22+$0xA410];
	[tilespmem:s23+$0x12420] =	vst v4;
	v0 =	vmul.f32 $1.131370830e+01, v0  }
.Ltmp1:
0x50: {  	v4 =	vld [tilespmem:s22+$0xA420];
	[tilespmem:s23+$0x12430] =	vst v3;
	v1 =	vmul.f32 $1.131370830e+01, v1;
	(pc) =	sbr.rel @p0 .LBB2_5-.Ltmp1, $4  }
0x51: {  	v3 =	vld [tilespmem:s22+$0xA430];
	[tilespmem:s23+$0x12440] =	vst v0;
	v2 =	vmul.f32 $1.131370830e+01, v2  }
0x52: {  	v0 =	vld [tilespmem:s22+$0xA440];
	v7 =	vmul.f32 $1.131370830e+01, v7;
	[tilespmem:s23+$0x12450] =	vst v1  }
0x53: {  	v5 =	vmul.f32 $1.131370830e+01, v5;
	v1 =	vld [tilespmem:s22+$0xA450];
	[tilespmem:s23+$0x12460] =	vst v2;
	s23 =	smov.u32 s22  }
0x54: {  	s22 =	sshra.s32 s24, $0x2;
	s24 =	sadd.s32 $0x200, s24;
	v6 =	vmul.f32 $1.131370830e+01, v6;
	v2 =	vld [tilespmem:s23+$0xA460];
	[tilespmem:s23+$0x12470] =	vst v7  }
0x55: {  	v7 =	vld [tilespmem:s22+$0xA470];
	[tilespmem:s23+$0x12400] =	vst v5;
	v4 =	vmul.f32 $1.131370830e+01, v4  }
0x56: {  	v5 =	vld [tilespmem:s22+$0xA400];
	[tilespmem:s23+$0x12410] =	vst v6;
	v3 =	vmul.f32 $1.131370830e+01, v3  }
0x57: {  	v6 =	vld [tilespmem:s22+$0xA410];
	[tilespmem:s23+$0x12420] =	vst v4;
	v0 =	vmul.f32 $1.131370830e+01, v0  }
0x58: {  	v4 =	vld [tilespmem:s22+$0xA420];
	[tilespmem:s23+$0x12430] =	vst v3;
	v1 =	vmul.f32 $1.131370830e+01, v1  }
0x59: {  	v3 =	vld [tilespmem:s22+$0xA430];
	[tilespmem:s23+$0x12440] =	vst v0;
	v2 =	vmul.f32 $1.131370830e+01, v2  }
0x5a: {  	v0 =	vld [tilespmem:s22+$0xA440];
	[tilespmem:s23+$0x12450] =	vst v1;
	v7 =	vmul.f32 $1.131370830e+01, v7  }
0x5b: {  	v1 =	vld [tilespmem:s22+$0xA450];
	[tilespmem:s23+$0x12460] =	vst v2;
	v60 =	vmul.f32 $1.131370830e+01, v5  }
0x5c: {  	v61 =	vld [tilespmem:s22+$0xA460];
	v6 =	vmul.f32 $1.131370830e+01, v6;
	[tilespmem:s22+$0x12470] =	vst v7  }
0x5d: {  	[tilespmem:s22+$0x12400] =	vst v60;
	v62 =	vmul.f32 $1.131370830e+01, v4  }
0x5e: {  	[tilespmem:s22+$0x12410] =	vst v6;
	v3 =	vmul.f32 $1.131370830e+01, v3  }
0x5f: {  	[tilespmem:s22+$0x12420] =	vst v62;
	v0 =	vmul.f32 $1.131370830e+01, v0  }
0x60: {  	s31 =	sshll.u32 s20, $0xC;
	s20 =	sadd.s32 $0x1, s20;
	[tilespmem:s22+$0x12430] =	vst v3;
	v1 =	vmul.f32 $1.131370830e+01, v1  }
0x61: {  	p0 =	sne.s32 s20, $0x64;
	[tilespmem:s22+$0x12440] =	vst v0;
	v63 =	vmul.f32 $1.131370830e+01, v61  }
.Ltmp2:
0x62: {  	[tilespmem:s22+$0x12450] =	vst v1;
	(pc) =	sbr.rel @p0 .LBB2_2-.Ltmp2, $4  }
0x63: {  	s21 =	sadd.s32 @!p1 $0x180, s21;
	s23 =	simm.s32 @!p1 $0xA400;
	[tilespmem:s22+$0x12460] =	vst v63;
	s22 =	simm.s32 @!p1 $0x80  }
0x64: {  	[tilespmem:s23], [sflag:$0x2] =	stream.indirect.gather @!p1 [hbm4b:s2+s22], $0x80, s21, s22, $0xb8;
	[tilespmem:$0x16400] =	vst v63  }
0x65: {  	s21 =	sadd.s32 s8, s31  }
0x66: {  	[hbm4b:s21+s4] =	stream.linear.scatter [tilespmem:s16], [sflag:$0x4], $0x4000, $0x38;
	[tilespmem:$0x16400] =	vst v63  }
0x67: {  	s19 =	sadd.s32 $0x1, s19  }
0x68: {  	_ =	swait.ge [sflag:s17], $0x4000;
	p0 =	sne.s32 s19, s7  }
.Ltmp3:
0x69: {  	[sflag:s17] =	ssyncset.done $0x0;
	(pc) =	sbr.rel @p0 .LBB2_1-.Ltmp3, $4  }
0x6a: {  	[sflag:s17] =	ssyncadd.s32 $0xFFFFC000  }
0x6b: {  	_ =	swait.ge [sflag:s18], $0x4000  }
0x6c: {  	[sflag:s18] =	ssyncset.done $0x0  }
0x6d: {  	[sflag:s18] =	ssyncadd.s32 $0xFFFFC000  }
0x6e: {  	_ =	sfence.sel $0x180000  }
0x6f: {  	[bflag:$0x0] =	sbarrier.arrive $0xFFFF  }
0x70: {  	p0 =	sne.s32 s0, $0x0;
	_ =	strace $0x90000047  }
0x71: {  	s0 =	sadd.s32 @!p0 $0x100000, s1;
	[bflag:$0x2] =	sbarrier.arrive $0xFFFF  }
0x72: {  	[sflag:s0] =	ssyncadd.tile.s32 @!p0 $0x1;
	_ =	shalt  }
.Lfunc_end2:
_tile_overlayer_lowered:
.L_overlay_start_2:
0x73: {  	(tag) =	ssettag $0x2  }
0x74: {  	s0 =	rddreg [dreg:$0x0];
	s2 =	stileid.u32  }
0x75: {  	s1 =	rddreg [dreg:$0x1];
	p0 =	sne.s32 s2, $0x0  }
0x76: {  	s3 =	rddreg [dreg:$0x2];
	[bflag:$0x3] =	sbarrier.arrive $0xFFFF;
	s2 =	simm.s32 @!p0 $0x1C05  }
0x77: {  	[timem:s3], [sflag:s2] =	dma.local @!p0 [hbm:s0], s1  }
0x78: {  	s0 =	simm.s32 @!p0 $0x5  }
0x79: {  	_ =	swait.ge @!p0 [sflag:s0], s1  }
0x7a: {  	s1 =	ssub.s32 @!p0 $0x0, s1;
	[sflag:s0] =	ssyncset.done @!p0 $0x0  }
0x7b: {  	[sflag:s0] =	ssyncadd.s32 @!p0 s1  }
0x7c: {  	[bflag:$0x3] =	sbarrier.arrive $0xFFFF  }
0x7d: {  	_ =	shalt  }

</sc_bundles>
